<compile_context>
chip_gen: v7x
topology: tpu7x:2x2x1
jax: 0.10.2.dev20260603
libtpu: 0.0.44.dev20260713+nightly
codegen_flags: <defaults>
</compile_context>

<pallas_src>
import functools

import jax
import jax.numpy as jnp
from jax import lax
from jax.experimental import pallas as pl
from jax.experimental.pallas import tpu as pltpu
from jax.experimental.pallas import tpu_sc as plsc



@functools.partial(jax.jit, static_argnums=(4, 5, 6))
def _sc_gather(user_emb, item_emb, u2, v2, B, D, CHUNK):
    info = plsc.get_sparse_core_info()
    NC, NS = info.num_cores, info.num_subcores
    NW = NC * NS
    b_per_w = B // NW
    n_chunks = b_per_w // CHUNK

    mesh = plsc.VectorSubcoreMesh(core_axis_name="c", subcore_axis_name="s")

    @functools.partial(
        pl.kernel,
        mesh=mesh,
        out_type=[
            jax.ShapeDtypeStruct((B, D), jnp.float32),
            jax.ShapeDtypeStruct((B, D), jnp.float32),
        ],
        scratch_types=[
            pltpu.VMEM((n_chunks, CHUNK), jnp.int32),
            pltpu.VMEM((n_chunks, CHUNK), jnp.int32),
            pltpu.VMEM((CHUNK, D), jnp.float32),
            pltpu.VMEM((CHUNK, D), jnp.float32),
            pltpu.VMEM((CHUNK, D), jnp.float32),
            pltpu.VMEM((CHUNK, D), jnp.float32),
            pltpu.SemaphoreType.DMA,
            pltpu.SemaphoreType.DMA,
            pltpu.SemaphoreType.DMA,
            pltpu.SemaphoreType.DMA,
        ],
    )
    def k(uemb_hbm, vemb_hbm, u_hbm, v_hbm, U_out, V_out,
          uidx, vidx, ua, ub, va, vb, sua, sub_, sva, svb):
        wid = lax.axis_index("s") * NC + lax.axis_index("c")
        base = wid * b_per_w
        ubufs = (ua, ub)
        vbufs = (va, vb)
        usems = (sua, sub_)
        vsems = (sva, svb)
        pltpu.sync_copy(u_hbm.at[wid], uidx)
        pltpu.sync_copy(v_hbm.at[wid], vidx)
        cu = [None] * n_chunks
        cv = [None] * n_chunks
        cu[0] = pltpu.async_copy(uemb_hbm.at[uidx.at[0]], ubufs[0], usems[0])
        cv[0] = pltpu.async_copy(vemb_hbm.at[vidx.at[0]], vbufs[0], vsems[0])
        for j in range(n_chunks):
            nxt = (j + 1) % 2
            if j + 1 < n_chunks:
                cu[j + 1] = pltpu.async_copy(
                    uemb_hbm.at[uidx.at[j + 1]], ubufs[nxt], usems[nxt])
                cv[j + 1] = pltpu.async_copy(
                    vemb_hbm.at[vidx.at[j + 1]], vbufs[nxt], vsems[nxt])
            cur = j % 2
            cu[j].wait()
            pltpu.sync_copy(ubufs[cur], U_out.at[pl.ds(base + j * CHUNK, CHUNK)])
            cv[j].wait()
            pltpu.sync_copy(vbufs[cur], V_out.at[pl.ds(base + j * CHUNK, CHUNK)])

    return k(user_emb, item_emb, u2, v2)



_DN_RHS_T = (((1,), (1,)), ((), ()))


def _mlp_body(U_ref, V_ref, W1_ref, b1_ref, W2_ref, b2_ref, o_ref):
    xu = jnp.maximum(U_ref[...], 0.0)
    xv = jnp.maximum(V_ref[...], 0.0)
    x = jnp.concatenate([xu, xv], axis=1)
    h = lax.dot_general(x, W1_ref[...], _DN_RHS_T,
                        preferred_element_type=jnp.float32)
    h = jnp.maximum(h + b1_ref[...], 0.0)
    o_ref[...] = lax.dot_general(W2_ref[...], h, _DN_RHS_T,
                                 preferred_element_type=jnp.float32) + b2_ref[...]


@functools.partial(jax.jit, static_argnums=(6,))
def _tc_mlp(U, V, W1, b1, W2, b2, bm):
    B, D = U.shape
    H = W1.shape[0]
    grid = (B // bm,)
    return pl.pallas_call(
        _mlp_body,
        grid=grid,
        in_specs=[
            pl.BlockSpec((bm, D), lambda i: (i, 0)),
            pl.BlockSpec((bm, D), lambda i: (i, 0)),
            pl.BlockSpec((H, 2 * D), lambda i: (0, 0)),
            pl.BlockSpec((1, H), lambda i: (0, 0)),
            pl.BlockSpec((1, H), lambda i: (0, 0)),
            pl.BlockSpec((1, 1), lambda i: (0, 0)),
        ],
        out_specs=pl.BlockSpec((1, bm), lambda i: (0, i)),
        out_shape=jax.ShapeDtypeStruct((1, B), jnp.float32),
    )(U, V, W1, b1, W2, b2)


def kernel(u, v, user_emb, item_emb, W1, b1, W2, b2):
    B = u.shape[0]
    D = user_emb.shape[1]
    H = W1.shape[0]
    info = plsc.get_sparse_core_info()
    NW = info.num_cores * info.num_subcores
    CHUNK = 128
    N_SLICES = 2
    Bs = B // N_SLICES
    n_chunks = Bs // NW // CHUNK

    ui = u.astype(jnp.int32).reshape(N_SLICES, NW, n_chunks, CHUNK)
    vi = v.astype(jnp.int32).reshape(N_SLICES, NW, n_chunks, CHUNK)
    b1r = b1.reshape(1, H)
    b2r = b2.reshape(1, 1)

    gathered = [
        _sc_gather(user_emb, item_emb, ui[s], vi[s], Bs, D, CHUNK)
        for s in range(N_SLICES)
    ]
    rows = [
        _tc_mlp(U, V, W1, b1r, W2, b2r, 2048) for (U, V) in gathered
    ]
    return jnp.concatenate(rows, axis=1).reshape(B, 1)

# --- scband reference (transcript-rebuilt; emitter-appended) ---
"""Pipeline reference for scband-cfnet-12463995093115 (READ-ONLY COPY).

The authoritative reference and input builder live on the scoring server;
editing this copy changes nothing except your own understanding.
"""

import jax, jax.numpy as jnp
import numpy as np

N_USERS = 100000
N_ITEMS = 100000
EMB = 128
HID = 256
BATCH = 16384

def setup_inputs(seed: int = 0) -> dict:
    key = jax.random.key(seed)
    ks = jax.random.split(key, 8)
    u = jax.random.randint(ks[0], (BATCH,), 0, N_USERS, dtype=jnp.int64 if jax.config.jax_enable_x64 else jnp.int32)
    v = jax.random.randint(ks[1], (BATCH,), 0, N_ITEMS, dtype=jnp.int64 if jax.config.jax_enable_x64 else jnp.int32)
    user_emb = jax.random.normal(ks[2], (N_USERS, EMB), dtype=jnp.float32)
    item_emb = jax.random.normal(ks[3], (N_ITEMS, EMB), dtype=jnp.float32)
    # nn.Linear default init: U(-1/sqrt(fan_in), 1/sqrt(fan_in))
    b1_bound = 1.0 / np.sqrt(2 * EMB)
    W1 = jax.random.uniform(ks[4], (HID, 2 * EMB), minval=-b1_bound, maxval=b1_bound, dtype=jnp.float32)
    b1 = jax.random.uniform(ks[5], (HID,), minval=-b1_bound, maxval=b1_bound, dtype=jnp.float32)
    b2_bound = 1.0 / np.sqrt(HID)
    W2 = jax.random.uniform(ks[6], (1, HID), minval=-b2_bound, maxval=b2_bound, dtype=jnp.float32)
    b2 = jax.random.uniform(ks[7], (1,), minval=-b2_bound, maxval=b2_bound, dtype=jnp.float32)
    return {"u": u, "v": v, "user_emb": user_emb, "item_emb": item_emb, "W1": W1, "b1": b1, "W2": W2, "b2": b2}

def reference(u, v, user_emb, item_emb, W1, b1, W2, b2):
    U = jnp.take(user_emb, u, axis=0)
    V = jnp.take(item_emb, v, axis=0)
    x = jax.nn.relu(jnp.concatenate([U, V], axis=1))
    # dropout is identity at inference (eval mode)
    x = jax.nn.relu(x @ W1.T + b1)
    x = x @ W2.T + b2
    return x

if __name__ == "__main__":
    import jax
    _d = setup_inputs()
    print(jax.jit(kernel)(*tuple(_d.values())))

</pallas_src>

<mosaic_0001>
#map = affine_map<(d0, d1) -> (0, 0)>
#map1 = affine_map<(d0, d1) -> (0, 0, 0)>
module attributes {stable_mosaic.version = 14 : i64} {
  func.func @k(%arg0: i32, %arg1: i32, %arg2: memref<100000x128xf32, #tpu.memory_space<hbm>>, %arg3: memref<100000x128xf32, #tpu.memory_space<hbm>>, %arg4: memref<32x2x128xi32, #tpu.memory_space<hbm>>, %arg5: memref<32x2x128xi32, #tpu.memory_space<hbm>>, %arg6: memref<8192x128xf32, #tpu.memory_space<hbm>>, %arg7: memref<8192x128xf32, #tpu.memory_space<hbm>>, %arg8: memref<2x128xi32, #tpu.memory_space<vmem>>, %arg9: memref<2x128xi32, #tpu.memory_space<vmem>>, %arg10: memref<128x128xf32, #tpu.memory_space<vmem>>, %arg11: memref<128x128xf32, #tpu.memory_space<vmem>>, %arg12: memref<128x128xf32, #tpu.memory_space<vmem>>, %arg13: memref<128x128xf32, #tpu.memory_space<vmem>>, %arg14: memref<!tpu.dma_semaphore, #tpu.memory_space<semaphore_mem>>, %arg15: memref<!tpu.dma_semaphore, #tpu.memory_space<semaphore_mem>>, %arg16: memref<!tpu.dma_semaphore, #tpu.memory_space<semaphore_mem>>, %arg17: memref<!tpu.dma_semaphore, #tpu.memory_space<semaphore_mem>>) attributes {dimension_semantics = [#tpu.dimension_semantics<core_parallel>, #tpu.dimension_semantics<subcore_parallel>], iteration_bounds = array<i64: 2, 16>, scalar_prefetch = 0 : i64, scratch_operands = 10 : i64, tpu.core_type = #tpu.core_type<sc_vector_subcore>, window_params = [{transform_indices = #map}, {transform_indices = #map}, {transform_indices = #map1}, {transform_indices = #map1}, {transform_indices = #map}, {transform_indices = #map}]} {
    %mul3A = arith.constant 2 : i32
    %mul3A_0 = arith.muli %arg1, %mul3A : i32
    %add3A = arith.addi %mul3A_0, %arg0 : i32
    %mul3A_1 = arith.constant 256 : i32
    %mul3A_2 = arith.muli %add3A, %mul3A_1 : i32
    "tpu.region"() ({
      %run_scoped3A = tpu.sem_alloc : memref<!tpu.dma_semaphore, #tpu.memory_space<semaphore_mem>>
      %dma_start3A_65 = arith.constant 0 : i32
      %dma_start3A_66 = arith.constant 0 : i32
      %dma_start3A_67 = tpu.memref_slice %arg4[%add3A, %dma_start3A_65, %dma_start3A_66] : memref<32x2x128xi32, #tpu.memory_space<hbm>> -> memref<1x2x128xi32, #tpu.memory_space<hbm>>
      %dma_start3A_68 = tpu.memref_squeeze %dma_start3A_67 : memref<1x2x128xi32, #tpu.memory_space<hbm>> -> memref<2x128xi32, #tpu.memory_space<hbm>>
      %dma_start3A_69 = arith.constant 0 : i32
      %dma_start3A_70 = arith.constant 0 : i32
      %dma_start3A_71 = tpu.memref_slice %arg4[%add3A, %dma_start3A_69, %dma_start3A_70] : memref<32x2x128xi32, #tpu.memory_space<hbm>> -> memref<1x2x128xi32, #tpu.memory_space<hbm>>
      %dma_start3A_72 = tpu.memref_squeeze %dma_start3A_71 : memref<1x2x128xi32, #tpu.memory_space<hbm>> -> memref<2x128xi32, #tpu.memory_space<hbm>>
      tpu.enqueue_dma source(%dma_start3A_72 : memref<2x128xi32, #tpu.memory_space<hbm>>) target(%arg8 : memref<2x128xi32, #tpu.memory_space<vmem>>) target_semaphore(%run_scoped3A : memref<!tpu.dma_semaphore, #tpu.memory_space<semaphore_mem>>)
      %dma_wait3A_73 = arith.constant 0 : i32
      %dma_wait3A_74 = arith.constant 0 : i32
      %dma_wait3A_75 = tpu.memref_slice %arg4[%add3A, %dma_wait3A_73, %dma_wait3A_74] : memref<32x2x128xi32, #tpu.memory_space<hbm>> -> memref<1x2x128xi32, #tpu.memory_space<hbm>>
      %dma_wait3A_76 = tpu.memref_squeeze %dma_wait3A_75 : memref<1x2x128xi32, #tpu.memory_space<hbm>> -> memref<2x128xi32, #tpu.memory_space<hbm>>
      %dma_wait3A_77 = arith.constant 0 : i32
      %dma_wait3A_78 = arith.constant 0 : i32
      %dma_wait3A_79 = tpu.memref_slice %arg4[%add3A, %dma_wait3A_77, %dma_wait3A_78] : memref<32x2x128xi32, #tpu.memory_space<hbm>> -> memref<1x2x128xi32, #tpu.memory_space<hbm>>
      %dma_wait3A_80 = tpu.memref_squeeze %dma_wait3A_79 : memref<1x2x128xi32, #tpu.memory_space<hbm>> -> memref<2x128xi32, #tpu.memory_space<hbm>>
      tpu.wait_dma2 semaphore(%run_scoped3A : memref<!tpu.dma_semaphore, #tpu.memory_space<semaphore_mem>>) src(%dma_wait3A_80 : memref<2x128xi32, #tpu.memory_space<hbm>>) dst(%arg8 : memref<2x128xi32, #tpu.memory_space<vmem>>)
      tpu.yield
    }) : () -> ()
    "tpu.region"() ({
      %run_scoped3A = tpu.sem_alloc : memref<!tpu.dma_semaphore, #tpu.memory_space<semaphore_mem>>
      %dma_start3A_65 = arith.constant 0 : i32
      %dma_start3A_66 = arith.constant 0 : i32
      %dma_start3A_67 = tpu.memref_slice %arg5[%add3A, %dma_start3A_65, %dma_start3A_66] : memref<32x2x128xi32, #tpu.memory_space<hbm>> -> memref<1x2x128xi32, #tpu.memory_space<hbm>>
      %dma_start3A_68 = tpu.memref_squeeze %dma_start3A_67 : memref<1x2x128xi32, #tpu.memory_space<hbm>> -> memref<2x128xi32, #tpu.memory_space<hbm>>
      %dma_start3A_69 = arith.constant 0 : i32
      %dma_start3A_70 = arith.constant 0 : i32
      %dma_start3A_71 = tpu.memref_slice %arg5[%add3A, %dma_start3A_69, %dma_start3A_70] : memref<32x2x128xi32, #tpu.memory_space<hbm>> -> memref<1x2x128xi32, #tpu.memory_space<hbm>>
      %dma_start3A_72 = tpu.memref_squeeze %dma_start3A_71 : memref<1x2x128xi32, #tpu.memory_space<hbm>> -> memref<2x128xi32, #tpu.memory_space<hbm>>
      tpu.enqueue_dma source(%dma_start3A_72 : memref<2x128xi32, #tpu.memory_space<hbm>>) target(%arg9 : memref<2x128xi32, #tpu.memory_space<vmem>>) target_semaphore(%run_scoped3A : memref<!tpu.dma_semaphore, #tpu.memory_space<semaphore_mem>>)
      %dma_wait3A_73 = arith.constant 0 : i32
      %dma_wait3A_74 = arith.constant 0 : i32
      %dma_wait3A_75 = tpu.memref_slice %arg5[%add3A, %dma_wait3A_73, %dma_wait3A_74] : memref<32x2x128xi32, #tpu.memory_space<hbm>> -> memref<1x2x128xi32, #tpu.memory_space<hbm>>
      %dma_wait3A_76 = tpu.memref_squeeze %dma_wait3A_75 : memref<1x2x128xi32, #tpu.memory_space<hbm>> -> memref<2x128xi32, #tpu.memory_space<hbm>>
      %dma_wait3A_77 = arith.constant 0 : i32
      %dma_wait3A_78 = arith.constant 0 : i32
      %dma_wait3A_79 = tpu.memref_slice %arg5[%add3A, %dma_wait3A_77, %dma_wait3A_78] : memref<32x2x128xi32, #tpu.memory_space<hbm>> -> memref<1x2x128xi32, #tpu.memory_space<hbm>>
      %dma_wait3A_80 = tpu.memref_squeeze %dma_wait3A_79 : memref<1x2x128xi32, #tpu.memory_space<hbm>> -> memref<2x128xi32, #tpu.memory_space<hbm>>
      tpu.wait_dma2 semaphore(%run_scoped3A : memref<!tpu.dma_semaphore, #tpu.memory_space<semaphore_mem>>) src(%dma_wait3A_80 : memref<2x128xi32, #tpu.memory_space<hbm>>) dst(%arg9 : memref<2x128xi32, #tpu.memory_space<vmem>>)
      tpu.yield
    }) : () -> ()
    %dma_start3A = arith.constant 0 : i32
    %dma_start3A_3 = arith.constant 0 : i32
    %dma_start3A_4 = tpu.memref_slice %arg8[%dma_start3A, %dma_start3A_3] : memref<2x128xi32, #tpu.memory_space<vmem>> -> memref<1x128xi32, #tpu.memory_space<vmem>>
    %dma_start3A_5 = tpu.memref_squeeze %dma_start3A_4 : memref<1x128xi32, #tpu.memory_space<vmem>> -> memref<128xi32, #tpu.memory_space<vmem>>
    %dma_start3A_6 = arith.constant 0 : i32
    %dma_start3A_7 = arith.constant 0 : i32
    %dma_start3A_8 = tpu.memref_slice %arg2[%dma_start3A_6, %dma_start3A_7] : memref<100000x128xf32, #tpu.memory_space<hbm>> -> memref<100000x128xf32, #tpu.memory_space<hbm>>
    tpu.enqueue_indirect_dma source(%dma_start3A_8 : memref<100000x128xf32, #tpu.memory_space<hbm>>) target(%arg10 : memref<128x128xf32, #tpu.memory_space<vmem>>) offsets(%dma_start3A_5 : memref<128xi32, #tpu.memory_space<vmem>>) semaphore(%arg14 : memref<!tpu.dma_semaphore, #tpu.memory_space<semaphore_mem>>)
    %dma_start3A_9 = arith.constant 0 : i32
    %dma_start3A_10 = arith.constant 0 : i32
    %dma_start3A_11 = tpu.memref_slice %arg9[%dma_start3A_9, %dma_start3A_10] : memref<2x128xi32, #tpu.memory_space<vmem>> -> memref<1x128xi32, #tpu.memory_space<vmem>>
    %dma_start3A_12 = tpu.memref_squeeze %dma_start3A_11 : memref<1x128xi32, #tpu.memory_space<vmem>> -> memref<128xi32, #tpu.memory_space<vmem>>
    %dma_start3A_13 = arith.constant 0 : i32
    %dma_start3A_14 = arith.constant 0 : i32
    %dma_start3A_15 = tpu.memref_slice %arg3[%dma_start3A_13, %dma_start3A_14] : memref<100000x128xf32, #tpu.memory_space<hbm>> -> memref<100000x128xf32, #tpu.memory_space<hbm>>
    tpu.enqueue_indirect_dma source(%dma_start3A_15 : memref<100000x128xf32, #tpu.memory_space<hbm>>) target(%arg12 : memref<128x128xf32, #tpu.memory_space<vmem>>) offsets(%dma_start3A_12 : memref<128xi32, #tpu.memory_space<vmem>>) semaphore(%arg16 : memref<!tpu.dma_semaphore, #tpu.memory_space<semaphore_mem>>)
    %dma_start3A_16 = arith.constant 1 : i32
    %dma_start3A_17 = arith.constant 0 : i32
    %dma_start3A_18 = tpu.memref_slice %arg8[%dma_start3A_16, %dma_start3A_17] : memref<2x128xi32, #tpu.memory_space<vmem>> -> memref<1x128xi32, #tpu.memory_space<vmem>>
    %dma_start3A_19 = tpu.memref_squeeze %dma_start3A_18 : memref<1x128xi32, #tpu.memory_space<vmem>> -> memref<128xi32, #tpu.memory_space<vmem>>
    %dma_start3A_20 = arith.constant 0 : i32
    %dma_start3A_21 = arith.constant 0 : i32
    %dma_start3A_22 = tpu.memref_slice %arg2[%dma_start3A_20, %dma_start3A_21] : memref<100000x128xf32, #tpu.memory_space<hbm>> -> memref<100000x128xf32, #tpu.memory_space<hbm>>
    tpu.enqueue_indirect_dma source(%dma_start3A_22 : memref<100000x128xf32, #tpu.memory_space<hbm>>) target(%arg11 : memref<128x128xf32, #tpu.memory_space<vmem>>) offsets(%dma_start3A_19 : memref<128xi32, #tpu.memory_space<vmem>>) semaphore(%arg15 : memref<!tpu.dma_semaphore, #tpu.memory_space<semaphore_mem>>)
    %dma_start3A_23 = arith.constant 1 : i32
    %dma_start3A_24 = arith.constant 0 : i32
    %dma_start3A_25 = tpu.memref_slice %arg9[%dma_start3A_23, %dma_start3A_24] : memref<2x128xi32, #tpu.memory_space<vmem>> -> memref<1x128xi32, #tpu.memory_space<vmem>>
    %dma_start3A_26 = tpu.memref_squeeze %dma_start3A_25 : memref<1x128xi32, #tpu.memory_space<vmem>> -> memref<128xi32, #tpu.memory_space<vmem>>
    %dma_start3A_27 = arith.constant 0 : i32
    %dma_start3A_28 = arith.constant 0 : i32
    %dma_start3A_29 = tpu.memref_slice %arg3[%dma_start3A_27, %dma_start3A_28] : memref<100000x128xf32, #tpu.memory_space<hbm>> -> memref<100000x128xf32, #tpu.memory_space<hbm>>
    tpu.enqueue_indirect_dma source(%dma_start3A_29 : memref<100000x128xf32, #tpu.memory_space<hbm>>) target(%arg13 : memref<128x128xf32, #tpu.memory_space<vmem>>) offsets(%dma_start3A_26 : memref<128xi32, #tpu.memory_space<vmem>>) semaphore(%arg17 : memref<!tpu.dma_semaphore, #tpu.memory_space<semaphore_mem>>)
    %dma_wait3A = arith.constant 0 : i32
    %dma_wait3A_30 = arith.constant 0 : i32
    %dma_wait3A_31 = tpu.memref_slice %arg8[%dma_wait3A, %dma_wait3A_30] : memref<2x128xi32, #tpu.memory_space<vmem>> -> memref<1x128xi32, #tpu.memory_space<vmem>>
    %dma_wait3A_32 = tpu.memref_squeeze %dma_wait3A_31 : memref<1x128xi32, #tpu.memory_space<vmem>> -> memref<128xi32, #tpu.memory_space<vmem>>
    %dma_wait3A_33 = arith.constant 0 : i32
    %dma_wait3A_34 = arith.constant 0 : i32
    %dma_wait3A_35 = tpu.memref_slice %arg2[%dma_wait3A_33, %dma_wait3A_34] : memref<100000x128xf32, #tpu.memory_space<hbm>> -> memref<100000x128xf32, #tpu.memory_space<hbm>>
    tpu.wait_indirect_dma semaphore(%arg14 : memref<!tpu.dma_semaphore, #tpu.memory_space<semaphore_mem>>) src(%dma_wait3A_35 : memref<100000x128xf32, #tpu.memory_space<hbm>>) dst(%arg10 : memref<128x128xf32, #tpu.memory_space<vmem>>)
    %add3A_36 = arith.constant 0 : i32
    %add3A_37 = arith.addi %mul3A_2, %add3A_36 : i32
    "tpu.region"() ({
      %run_scoped3A = tpu.sem_alloc : memref<!tpu.dma_semaphore, #tpu.memory_space<semaphore_mem>>
      %dma_start3A_65 = arith.constant 0 : i32
      %dma_start3A_66 = tpu.memref_slice %arg6[%add3A_37, %dma_start3A_65] : memref<8192x128xf32, #tpu.memory_space<hbm>> -> memref<128x128xf32, #tpu.memory_space<hbm>>
      %dma_start3A_67 = arith.constant 0 : i32
      %dma_start3A_68 = tpu.memref_slice %arg6[%add3A_37, %dma_start3A_67] : memref<8192x128xf32, #tpu.memory_space<hbm>> -> memref<128x128xf32, #tpu.memory_space<hbm>>
      tpu.enqueue_dma source(%arg10 : memref<128x128xf32, #tpu.memory_space<vmem>>) target(%dma_start3A_68 : memref<128x128xf32, #tpu.memory_space<hbm>>) target_semaphore(%run_scoped3A : memref<!tpu.dma_semaphore, #tpu.memory_space<semaphore_mem>>)
      %dma_wait3A_69 = arith.constant 0 : i32
      %dma_wait3A_70 = tpu.memref_slice %arg6[%add3A_37, %dma_wait3A_69] : memref<8192x128xf32, #tpu.memory_space<hbm>> -> memref<128x128xf32, #tpu.memory_space<hbm>>
      %dma_wait3A_71 = arith.constant 0 : i32
      %dma_wait3A_72 = tpu.memref_slice %arg6[%add3A_37, %dma_wait3A_71] : memref<8192x128xf32, #tpu.memory_space<hbm>> -> memref<128x128xf32, #tpu.memory_space<hbm>>
      tpu.wait_dma2 semaphore(%run_scoped3A : memref<!tpu.dma_semaphore, #tpu.memory_space<semaphore_mem>>) src(%arg10 : memref<128x128xf32, #tpu.memory_space<vmem>>) dst(%dma_wait3A_72 : memref<128x128xf32, #tpu.memory_space<hbm>>)
      tpu.yield
    }) : () -> ()
    %dma_wait3A_38 = arith.constant 0 : i32
    %dma_wait3A_39 = arith.constant 0 : i32
    %dma_wait3A_40 = tpu.memref_slice %arg9[%dma_wait3A_38, %dma_wait3A_39] : memref<2x128xi32, #tpu.memory_space<vmem>> -> memref<1x128xi32, #tpu.memory_space<vmem>>
    %dma_wait3A_41 = tpu.memref_squeeze %dma_wait3A_40 : memref<1x128xi32, #tpu.memory_space<vmem>> -> memref<128xi32, #tpu.memory_space<vmem>>
    %dma_wait3A_42 = arith.constant 0 : i32
    %dma_wait3A_43 = arith.constant 0 : i32
    %dma_wait3A_44 = tpu.memref_slice %arg3[%dma_wait3A_42, %dma_wait3A_43] : memref<100000x128xf32, #tpu.memory_space<hbm>> -> memref<100000x128xf32, #tpu.memory_space<hbm>>
    tpu.wait_indirect_dma semaphore(%arg16 : memref<!tpu.dma_semaphore, #tpu.memory_space<semaphore_mem>>) src(%dma_wait3A_44 : memref<100000x128xf32, #tpu.memory_space<hbm>>) dst(%arg12 : memref<128x128xf32, #tpu.memory_space<vmem>>)
    %add3A_45 = arith.constant 0 : i32
    %add3A_46 = arith.addi %mul3A_2, %add3A_45 : i32
    "tpu.region"() ({
      %run_scoped3A = tpu.sem_alloc : memref<!tpu.dma_semaphore, #tpu.memory_space<semaphore_mem>>
      %dma_start3A_65 = arith.constant 0 : i32
      %dma_start3A_66 = tpu.memref_slice %arg7[%add3A_46, %dma_start3A_65] : memref<8192x128xf32, #tpu.memory_space<hbm>> -> memref<128x128xf32, #tpu.memory_space<hbm>>
      %dma_start3A_67 = arith.constant 0 : i32
      %dma_start3A_68 = tpu.memref_slice %arg7[%add3A_46, %dma_start3A_67] : memref<8192x128xf32, #tpu.memory_space<hbm>> -> memref<128x128xf32, #tpu.memory_space<hbm>>
      tpu.enqueue_dma source(%arg12 : memref<128x128xf32, #tpu.memory_space<vmem>>) target(%dma_start3A_68 : memref<128x128xf32, #tpu.memory_space<hbm>>) target_semaphore(%run_scoped3A : memref<!tpu.dma_semaphore, #tpu.memory_space<semaphore_mem>>)
      %dma_wait3A_69 = arith.constant 0 : i32
      %dma_wait3A_70 = tpu.memref_slice %arg7[%add3A_46, %dma_wait3A_69] : memref<8192x128xf32, #tpu.memory_space<hbm>> -> memref<128x128xf32, #tpu.memory_space<hbm>>
      %dma_wait3A_71 = arith.constant 0 : i32
      %dma_wait3A_72 = tpu.memref_slice %arg7[%add3A_46, %dma_wait3A_71] : memref<8192x128xf32, #tpu.memory_space<hbm>> -> memref<128x128xf32, #tpu.memory_space<hbm>>
      tpu.wait_dma2 semaphore(%run_scoped3A : memref<!tpu.dma_semaphore, #tpu.memory_space<semaphore_mem>>) src(%arg12 : memref<128x128xf32, #tpu.memory_space<vmem>>) dst(%dma_wait3A_72 : memref<128x128xf32, #tpu.memory_space<hbm>>)
      tpu.yield
    }) : () -> ()
    %dma_wait3A_47 = arith.constant 1 : i32
    %dma_wait3A_48 = arith.constant 0 : i32
    %dma_wait3A_49 = tpu.memref_slice %arg8[%dma_wait3A_47, %dma_wait3A_48] : memref<2x128xi32, #tpu.memory_space<vmem>> -> memref<1x128xi32, #tpu.memory_space<vmem>>
    %dma_wait3A_50 = tpu.memref_squeeze %dma_wait3A_49 : memref<1x128xi32, #tpu.memory_space<vmem>> -> memref<128xi32, #tpu.memory_space<vmem>>
    %dma_wait3A_51 = arith.constant 0 : i32
    %dma_wait3A_52 = arith.constant 0 : i32
    %dma_wait3A_53 = tpu.memref_slice %arg2[%dma_wait3A_51, %dma_wait3A_52] : memref<100000x128xf32, #tpu.memory_space<hbm>> -> memref<100000x128xf32, #tpu.memory_space<hbm>>
    tpu.wait_indirect_dma semaphore(%arg15 : memref<!tpu.dma_semaphore, #tpu.memory_space<semaphore_mem>>) src(%dma_wait3A_53 : memref<100000x128xf32, #tpu.memory_space<hbm>>) dst(%arg11 : memref<128x128xf32, #tpu.memory_space<vmem>>)
    %add3A_54 = arith.constant 128 : i32
    %add3A_55 = arith.addi %mul3A_2, %add3A_54 : i32
    "tpu.region"() ({
      %run_scoped3A = tpu.sem_alloc : memref<!tpu.dma_semaphore, #tpu.memory_space<semaphore_mem>>
      %dma_start3A_65 = arith.constant 0 : i32
      %dma_start3A_66 = tpu.memref_slice %arg6[%add3A_55, %dma_start3A_65] : memref<8192x128xf32, #tpu.memory_space<hbm>> -> memref<128x128xf32, #tpu.memory_space<hbm>>
      %dma_start3A_67 = arith.constant 0 : i32
      %dma_start3A_68 = tpu.memref_slice %arg6[%add3A_55, %dma_start3A_67] : memref<8192x128xf32, #tpu.memory_space<hbm>> -> memref<128x128xf32, #tpu.memory_space<hbm>>
      tpu.enqueue_dma source(%arg11 : memref<128x128xf32, #tpu.memory_space<vmem>>) target(%dma_start3A_68 : memref<128x128xf32, #tpu.memory_space<hbm>>) target_semaphore(%run_scoped3A : memref<!tpu.dma_semaphore, #tpu.memory_space<semaphore_mem>>)
      %dma_wait3A_69 = arith.constant 0 : i32
      %dma_wait3A_70 = tpu.memref_slice %arg6[%add3A_55, %dma_wait3A_69] : memref<8192x128xf32, #tpu.memory_space<hbm>> -> memref<128x128xf32, #tpu.memory_space<hbm>>
      %dma_wait3A_71 = arith.constant 0 : i32
      %dma_wait3A_72 = tpu.memref_slice %arg6[%add3A_55, %dma_wait3A_71] : memref<8192x128xf32, #tpu.memory_space<hbm>> -> memref<128x128xf32, #tpu.memory_space<hbm>>
      tpu.wait_dma2 semaphore(%run_scoped3A : memref<!tpu.dma_semaphore, #tpu.memory_space<semaphore_mem>>) src(%arg11 : memref<128x128xf32, #tpu.memory_space<vmem>>) dst(%dma_wait3A_72 : memref<128x128xf32, #tpu.memory_space<hbm>>)
      tpu.yield
    }) : () -> ()
    %dma_wait3A_56 = arith.constant 1 : i32
    %dma_wait3A_57 = arith.constant 0 : i32
    %dma_wait3A_58 = tpu.memref_slice %arg9[%dma_wait3A_56, %dma_wait3A_57] : memref<2x128xi32, #tpu.memory_space<vmem>> -> memref<1x128xi32, #tpu.memory_space<vmem>>
    %dma_wait3A_59 = tpu.memref_squeeze %dma_wait3A_58 : memref<1x128xi32, #tpu.memory_space<vmem>> -> memref<128xi32, #tpu.memory_space<vmem>>
    %dma_wait3A_60 = arith.constant 0 : i32
    %dma_wait3A_61 = arith.constant 0 : i32
    %dma_wait3A_62 = tpu.memref_slice %arg3[%dma_wait3A_60, %dma_wait3A_61] : memref<100000x128xf32, #tpu.memory_space<hbm>> -> memref<100000x128xf32, #tpu.memory_space<hbm>>
    tpu.wait_indirect_dma semaphore(%arg17 : memref<!tpu.dma_semaphore, #tpu.memory_space<semaphore_mem>>) src(%dma_wait3A_62 : memref<100000x128xf32, #tpu.memory_space<hbm>>) dst(%arg13 : memref<128x128xf32, #tpu.memory_space<vmem>>)
    %add3A_63 = arith.constant 128 : i32
    %add3A_64 = arith.addi %mul3A_2, %add3A_63 : i32
    "tpu.region"() ({
      %run_scoped3A = tpu.sem_alloc : memref<!tpu.dma_semaphore, #tpu.memory_space<semaphore_mem>>
      %dma_start3A_65 = arith.constant 0 : i32
      %dma_start3A_66 = tpu.memref_slice %arg7[%add3A_64, %dma_start3A_65] : memref<8192x128xf32, #tpu.memory_space<hbm>> -> memref<128x128xf32, #tpu.memory_space<hbm>>
      %dma_start3A_67 = arith.constant 0 : i32
      %dma_start3A_68 = tpu.memref_slice %arg7[%add3A_64, %dma_start3A_67] : memref<8192x128xf32, #tpu.memory_space<hbm>> -> memref<128x128xf32, #tpu.memory_space<hbm>>
      tpu.enqueue_dma source(%arg13 : memref<128x128xf32, #tpu.memory_space<vmem>>) target(%dma_start3A_68 : memref<128x128xf32, #tpu.memory_space<hbm>>) target_semaphore(%run_scoped3A : memref<!tpu.dma_semaphore, #tpu.memory_space<semaphore_mem>>)
      %dma_wait3A_69 = arith.constant 0 : i32
      %dma_wait3A_70 = tpu.memref_slice %arg7[%add3A_64, %dma_wait3A_69] : memref<8192x128xf32, #tpu.memory_space<hbm>> -> memref<128x128xf32, #tpu.memory_space<hbm>>
      %dma_wait3A_71 = arith.constant 0 : i32
      %dma_wait3A_72 = tpu.memref_slice %arg7[%add3A_64, %dma_wait3A_71] : memref<8192x128xf32, #tpu.memory_space<hbm>> -> memref<128x128xf32, #tpu.memory_space<hbm>>
      tpu.wait_dma2 semaphore(%run_scoped3A : memref<!tpu.dma_semaphore, #tpu.memory_space<semaphore_mem>>) src(%arg13 : memref<128x128xf32, #tpu.memory_space<vmem>>) dst(%dma_wait3A_72 : memref<128x128xf32, #tpu.memory_space<hbm>>)
      tpu.yield
    }) : () -> ()
    return
  }
}

</mosaic_0001>

<sc_bundles>
// kernel: _sc_gather.3.cloned.1.call-start
scs
__scs_entry_jumppad:
0x0: {  	(pc) =	sbr.rel $0x88, $3  }
0x1: {  	(tag) =	ssettag $0x0;
	lr =	simm.s32 $0x1  }
0x2: {  	[smem:$0x3F9D] =	sst lr;
	_ =	strace $0xD0000000  }
0x3: {  	_ = 	snop  }
0x4: {  	_ = 	snop  }
0x5: {  	_ = 	snop  }
0x6: {  	_ = 	snop  }
0x7: {  	_ = 	snop  }
__scs_overlays_trampoline_lowered:
0x8: {  	[smem:$0x3FAC] =	sst s0  }
0x9: {  	[smem:$0x3FAD] =	sst s1  }
0xa: {  	[smem:$0x3FAE] =	sst s2  }
0xb: {  	[smem:$0x3FAF] =	sst s3  }
0xc: {  	[smem:$0x3FB0] =	sst s4  }
0xd: {  	[smem:$0x3FB1] =	sst s5  }
0xe: {  	[smem:$0x3FB2] =	sst s6  }
0xf: {  	[smem:$0x3FB3] =	sst s7  }
0x10: {  	[smem:$0x3FB4] =	sst s8  }
0x11: {  	[smem:$0x3FB5] =	sst s9;
	s0 =	simm.s32 @!p0 $0x0  }
0x12: {  	s1 =	sld [smem:$0x3F9B];
	s0 =	simm.s32 @p0 $0x1  }
0x13: {  	[smem:$0x3FB6] =	sst s0;
	s0 =	simm.s32 @!p1 $0x0  }
0x14: {  	s2 =	sld [smem:$0x3F9A];
	s0 =	simm.s32 @p1 $0x1  }
0x15: {  	[smem:$0x3FB7] =	sst s0;
	s0 =	simm.s32 @!p2 $0x0  }
0x16: {  	s3 =	sld [smem:$0x3FDB];
	s0 =	simm.s32 @p2 $0x1  }
0x17: {  	s4 =	simm.s32 $0x1BF5;
	[smem:$0x3FB9] =	sst s0  }
0x18: {  	s0 =	sld [smem:$0x3F9C];
	_ =	swait.ge [sflag:s4], $0x0  }
0x19: {  	s7 =	sld [smem:$0x3F9D]  }
0x1a: {  	s8 =	sadd.s32 $0xFFFFE003, lr  }
0x1b: {  	s9 =	sadd.s32 $0xFFFFFEF7, lr;
	s5 =	simm.s32 $0xFFFFFFFF;
	p2 =	slt.u32 s8, $0xFFFFF086  }
0x1c: {  	p1 =	slt.u32 s9, $0xF7A;
	s5 =	simm.s32 @!p2 $0x0  }
0x1d: {  	s5 =	simm.s32 @p1 $0x1;
	p0 =	seq.s32 s7, s2  }
0x1e: {  	s7 =	smul.u32 @!p0 $0xF7A, s2;
	p2 =	seq.s32 @!p0 s5, $0x0  }
0x1f: {  	s9 =	smul.u32 $0xF7A, s1;
	s8 =	simm.s32 @!p0 $0x1BF5;
	p2 =	por !p2, p0  }
0x20: {  	[sflag:s8] =	ssyncset.s32 @!p0 $0xFFFFF086;
	s6 =	sadd.s32 @!p0 s3, s7;
	s7 =	simm.s32 @!p0 $0x108  }
0x21: {  	s3 =	sadd.s32 s3, s9;
	s6 =	sadd.s32 @!p0 $0x88, s6;
	s7 =	simm.s32 @p2 $0x1082  }
0x22: {  	[simem:s7], [sflag:s8] =	dma.local @!p0 [hbm:s6], $0xF7A  }
0x23: {  	s9 =	sor.u32 $0xD0000000, s2;
	s6 =	simm.s32 $0x108;
	_ =	swait.ge @!p0 [sflag:s8], $0x0  }
0x24: {  	s3 =	sadd.s32 $0x88, s3;
	s6 =	simm.s32 @!p1 $0x1082;
	[sflag:s4] =	ssyncset.s32 $0xFFFFF086  }
0x25: {  	[simem:s6], [sflag:s4] =	dma.local [hbm:s3], $0xF7A  }
0x26: {  	[smem:$0x3F9D] =	sst s1;
	(tag) =	ssettag s2;
	_ =	strace s9  }
0x27: {  	s1 =	sld [smem:$0x3FAD]  }
0x28: {  	s2 =	sld [smem:$0x3FAE]  }
0x29: {  	s4 =	sld [smem:$0x3FB0]  }
0x2a: {  	p0 =	seq.s32 s5, $0x0;
	s5 =	sld [smem:$0x3FB1]  }
0x2b: {  	s6 =	sld [smem:$0x3FB2]  }
0x2c: {  	s7 =	sld [smem:$0x3FB3]  }
0x2d: {  	s3 =	simm.s32 $0x108;
	s8 =	sld [smem:$0x3FB4]  }
0x2e: {  	s3 =	simm.s32 @!p0 $0x1082;
	s9 =	sld [smem:$0x3FB5]  }
0x2f: {  	lr =	sadd.s32 s0, s3;
	s0 =	sld [smem:$0x3FAC]  }
0x30: {  	s3 =	sld [smem:$0x3FAF]  }
0x31: {  	[smem:$0x3FB8] =	sst s10  }
0x32: {  	s10 =	sld [smem:$0x3FB6];
	_ =	sdelay $0x3  }
0x33: {  	p0 =	seq.s32 s10, $0x1;
	s10 =	sld [smem:$0x3FB8];
	_ =	sdelay $0x3  }
0x34: {  	[smem:$0x3FB8] =	sst s10  }
0x35: {  	s10 =	sld [smem:$0x3FB7];
	_ =	sdelay $0x3  }
0x36: {  	p1 =	seq.s32 s10, $0x1;
	s10 =	sld [smem:$0x3FB8];
	_ =	sdelay $0x3  }
0x37: {  	[smem:$0x3FB8] =	sst s10  }
0x38: {  	s10 =	sld [smem:$0x3FB9]  }
0x39: {  	_ = 	snop;
	(pc) =	sbr.ind lr, $3  }
0x3a: {  	_ = 	snop  }
0x3b: {  	_ = 	snop  }
0x3c: {  	p2 =	seq.s32 s10, $0x1;
	s10 =	sld [smem:$0x3FB8]  }
0x3d: {  	_ =	shalt  }
0x3e: {  	_ =	shalt  }
0x3f: {  	_ =	shalt  }
0x40: {  	_ =	shalt  }
0x41: {  	_ =	shalt  }
0x42: {  	_ =	shalt  }
0x43: {  	_ =	shalt  }
0x44: {  	_ =	shalt  }
0x45: {  	_ =	shalt  }
0x46: {  	_ =	shalt  }
0x47: {  	_ =	shalt  }
0x48: {  	_ =	shalt  }
0x49: {  	_ =	shalt  }
0x4a: {  	_ =	shalt  }
0x4b: {  	_ =	shalt  }
0x4c: {  	_ =	shalt  }
0x4d: {  	_ =	shalt  }
0x4e: {  	_ =	shalt  }
0x4f: {  	_ =	shalt  }
0x50: {  	_ =	shalt  }
0x51: {  	_ =	shalt  }
0x52: {  	_ =	shalt  }
0x53: {  	_ =	shalt  }
0x54: {  	_ =	shalt  }
0x55: {  	_ =	shalt  }
0x56: {  	_ =	shalt  }
0x57: {  	_ =	shalt  }
0x58: {  	_ =	shalt  }
0x59: {  	_ =	shalt  }
0x5a: {  	_ =	shalt  }
0x5b: {  	_ =	shalt  }
0x5c: {  	_ =	shalt  }
0x5d: {  	_ =	shalt  }
0x5e: {  	_ =	shalt  }
0x5f: {  	_ =	shalt  }
0x60: {  	_ =	shalt  }
0x61: {  	_ =	shalt  }
0x62: {  	_ =	shalt  }
0x63: {  	_ =	shalt  }
0x64: {  	_ =	shalt  }
0x65: {  	_ =	shalt  }
0x66: {  	_ =	shalt  }
0x67: {  	_ =	shalt  }
0x68: {  	_ =	shalt  }
0x69: {  	_ =	shalt  }
0x6a: {  	_ =	shalt  }
0x6b: {  	_ =	shalt  }
0x6c: {  	_ =	shalt  }
0x6d: {  	_ =	shalt  }
0x6e: {  	_ =	shalt  }
0x6f: {  	_ =	shalt  }
0x70: {  	_ =	shalt  }
0x71: {  	_ =	shalt  }
0x72: {  	_ =	shalt  }
0x73: {  	_ =	shalt  }
0x74: {  	_ =	shalt  }
0x75: {  	_ =	shalt  }
0x76: {  	_ =	shalt  }
0x77: {  	_ =	shalt  }
0x78: {  	_ =	shalt  }
0x79: {  	_ =	shalt  }
0x7a: {  	_ =	shalt  }
0x7b: {  	_ =	shalt  }
0x7c: {  	_ =	shalt  }
0x7d: {  	_ =	shalt  }
0x7e: {  	_ =	shalt  }
0x7f: {  	_ =	shalt  }
0x80: {  	_ =	shalt  }
0x81: {  	_ =	shalt  }
0x82: {  	_ =	shalt  }
0x83: {  	_ =	shalt  }
0x84: {  	_ =	shalt  }
0x85: {  	_ =	shalt  }
0x86: {  	_ =	shalt  }
0x87: {  	_ =	shalt  }
.Lfunc_end0:
.L_simem_size_0:
called_computation_lowered:
.L_overlay_start_0:
0x88: {  	s2 =	sld [smem:$0x3FD9]  }
0x89: {  	s3 =	sld [smem:$0x3FFE];
	_ =	sdelay $0x1  }
0x8a: {  	s1 =	srdreg.scid  }
0x8b: {  	s0 =	sand.u32 $0x1, s1  }
0x8c: {  	s15 =	sshll.u32 s0, $0xA;
	s2 =	sadd.s32 s3, s2  }
0x8d: {  	s2 =	sadd.s32 s2, s15  }
0x8e: {  	[smem:$0x3FC4] =	sst s2  }
0x8f: {  	_ = 	snop  }
0x90: {  	s2 =	sld [smem:$0x3FC9]  }
0x91: {  	s16 =	sld [smem:$0x3FD0]  }
0x92: {  	s4 =	sld [smem:$0x3FC8]  }
0x93: {  	s5 =	sld [smem:$0x3FC7]  }
0x94: {  	s7 =	simm.s32 $0xA;
	s8 =	simm.s32 $0x10;
	s6 =	sld [smem:$0x3FC6]  }
0x95: {  	[smem:s8], [sflag:s7] =	dma.local [hbm:s16], $0x1  }
0x96: {  	_ =	swait.eq [sflag:s7], $0x1  }
0x97: {  	[sflag:s7] =	ssyncset.done $0x0  }
0x98: {  	s17 =	sld [smem:$0x10];
	[sflag:s7] =	ssyncadd.s32 $0xFFFFFFFF  }
0x99: {  	s18 =	sld [smem:$0x11];
	(tm) =	ssettm $0x1  }
0x9a: {  	s19 =	sld [smem:$0x3FFB];
	_ =	sdelay $0x3  }
0x9b: {  	_ =	strace s19  }
0x9c: {  	s8 =	sld [smem:$0x3FFC];
	_ =	sdelay $0x3  }
0x9d: {  	_ =	strace s8  }
0x9e: {  	s8 =	sld [smem:$0x3FFD];
	_ =	sdelay $0x3  }
0x9f: {  	_ =	strace s8  }
0xa0: {  	_ =	strace $0x8FFFFFFF  }
0xa1: {  	s20 =	sld [smem:$0x3FDB];
	_ =	sdelay $0x1  }
0xa2: {  	s9 =	simm.s32 $_scs_section_size  }
0xa3: {  	s10 =	simm.s32 $_size__tile_overlayer_lowered;
	s11 =	simm.s32 $_tile_overlayer_lowered  }
0xa4: {  	s23 =	simm.s32 $0x1BFF;
	s22 =	sshll.u32 s11, $0x1;
	s8 =	sadd.s32 s9, s20  }
0xa5: {  	s12 =	simm.s32 $0x0;
	s21 =	sshll.u32 s10, $0x1;
	s10 =	sadd.s32 s22, s8  }
0xa6: {  	[timem:s12], [sflag:s23] =	dma.local [hbm:s10], s21  }
0xa7: {  	_ =	swait.ge [sflag:s23], s21  }
0xa8: {  	s9 =	ssub.s32 $0x0, s21;
	[sflag:s23] =	ssyncset.done $0x0  }
0xa9: {  	[sflag:s23] =	ssyncadd.s32 s9;
	_ =	sdelay $0x1  }
0xaa: {  	s24 =	simm.s32 $0x1B8B  }
0xab: {  	_ =	swait.ge [sflag:s24], $0x1  }
0xac: {  	[sflag:s24] =	ssyncset.done $0x0  }
0xad: {  	s25 =	simm.s32 $0x1B8E;
	[sflag:s24] =	ssyncadd.s32 $0xFFFFFFFF  }
0xae: {  	s26 =	simm.s32 $execute0_lowered;
	[smem:$0x3FD2] =	sst s25  }
0xaf: {  	s9 =	sshll.u32 s26, $0x1;
	_ =	strace $0x80000046;
	[dreg:$0x1] =	wrdreg $0xFFFFFFFF  }
0xb0: {  	s28 =	simm.s32 $_size_execute0_lowered;
	s8 =	sadd.s32 s8, s9;
	[dreg:$0x0] =	wrdreg $0x0  }
0xb1: {  	s9 =	sshll.u32 s28, $0x1;
	[dreg:$0x2] =	wrdreg s8  }
0xb2: {  	[dreg:$0x3] =	wrdreg s9  }
0xb3: {  	[dreg:$0x4] =	wrdreg $0xC0  }
0xb4: {  	_ =	task [dreg:s12], $0x5FFFF  }
0xb5: {  	[dreg:$0x1] =	wrdreg $0xFFFFFFFF  }
0xb6: {  	[dreg:$0x0] =	wrdreg $0x60  }
0xb7: {  	[dreg:$0x2] =	wrdreg s2  }
0xb8: {  	[dreg:$0x3] =	wrdreg s4  }
0xb9: {  	[dreg:$0x4] =	wrdreg s5  }
0xba: {  	[dreg:$0x5] =	wrdreg s6  }
0xbb: {  	[dreg:$0x6] =	wrdreg s17  }
0xbc: {  	[dreg:$0x7] =	wrdreg s18  }
0xbd: {  	[dreg:$0x8] =	wrdreg $0x9  }
0xbe: {  	_ =	task.clear_ibuf [dreg:s12], $0x9FFFF;
	_ =	strace $0x90000046  }
0xbf: {  	s29 =	simm.s32 $0x9;
	_ =	strace $0x80000048  }
0xc0: {  	_ =	swait.ge [sflag:s29], $0x1  }
0xc1: {  	[sflag:s29] =	ssyncadd.s32 $0xFFFFFFFF  }
0xc2: {  	_ =	strace $0x90000048  }
0xc3: {  	_ =	sfence  }
0xc4: {  	s30 =	sld [smem:$0x0];
	_ =	sdelay $0x2  }
0xc5: {  	s31 =	sshll.u32 s1, $0xD;
	s1 =	sshrl.u32 s1, $0x2  }
0xc6: {  	s3 =	sand.u32 $0x4000, s31;
	s1 =	sadd.s32 s1, s30  }
0xc7: {  	s0 =	sor.u32 s3, s0;
	s1 =	sshll.u32 s1, $0x11  }
0xc8: {  	s0 =	sor.u32 s1, s0  }
0xc9: {  	s0 =	sadd.s32 $0x8F2B, s0  }
0xca: {  	[sflag:s0] =	ssyncadd.remote.s32 $0x1  }
0xcb: {  	_ =	sfence.sel $0xFFFF  }
0xcc: {  	[dreg:$0x0] =	wrdreg $0xFFFFFFFF;
	(pc) =	sbr.abs _section_cstart, $3  }
0xcd: {  	[dreg:$0x1] =	wrdreg $0xFFFFFFFF  }
0xce: {  	_ =	task.clear_ibuf [dreg:s12], $0x2FFFF;
	_ =	strace $0x9FFFFFFF  }
0xcf: {  	(tm) =	ssettm $0x7FFFFFFF  }
tec
execute0_lowered:
.L_overlay_start_1:
0x0: {  	(tag) =	ssettag $0x1  }
0x1: {  	s0 =	rddreg [dreg:$0x0]  }
0x2: {  	s2 =	rddreg [dreg:$0x1]  }
0x3: {  	s5 =	rddreg [dreg:$0x2]  }
0x4: {  	s7 =	rddreg [dreg:$0x3];
	s3 =	srdreg.scid  }
0x5: {  	s20 =	rddreg [dreg:$0x4];
	s1 =	stileid.u32;
	s21 =	sand.u32 $0x1, s3  }
0x6: {  	s22 =	rddreg [dreg:$0x5];
	s6 =	sshll.u32 s1, $0x9;
	s8 =	sshll.u32 s21, $0x8  }
0x7: {  	s4 =	simm.s32 $0x0;
	s3 =	rddreg [dreg:$0x6];
	s16 =	sor.u32 s8, s6  }
0x8: {  	[smem:$0x7FF] =	sst s4;
	s8 =	sshrl.u32 s16, $0x3  }
0x9: {  	_ =	strace $0x80000047;
	s6 =	sadd.s32 s5, s8;
	s5 =	simm.s32 $0x5  }
0xa: {  	[tilespmem:s4], [sflag:$0x5] =	stream.linear.gather [hbm4b:s6+s4], $0x100, $0x38;
	[tilespmem:$0x10200] =	vst v63  }
0xb: {  	_ =	swait.ge [sflag:s5], $0x100  }
0xc: {  	[sflag:s5] =	ssyncset.done $0x0  }
0xd: {  	s7 =	sadd.s32 s7, s8;
	s8 =	simm.s32 $0x100;
	[sflag:s5] =	ssyncadd.s32 $0xFFFFFF00  }
0xe: {  	[tilespmem:s8], [sflag:$0x5] =	stream.linear.gather [hbm4b:s7+s4], $0x100, $0x38;
	[tilespmem:$0x10200] =	vst v63  }
0xf: {  	_ =	swait.ge [sflag:s5], $0x100  }
0x10: {  	[sflag:s5] =	ssyncset.done $0x0  }
0x11: {  	s9 =	simm.s32 $0x80;
	s10 =	simm.s32 $0x200;
	[sflag:s5] =	ssyncadd.s32 $0xFFFFFF00  }
0x12: {  	[tilespmem:s10], [sflag:$0x1] =	stream.indirect.gather [hbm4b:s0+s9], $0x80, s4, s9, $0xb8;
	[tilespmem:$0x10200] =	vst v63  }
0x13: {  	s11 =	simm.s32 $0x8200  }
0x14: {  	[tilespmem:s11], [sflag:$0x3] =	stream.indirect.gather [hbm4b:s2+s9], $0x80, s8, s9, $0xb8;
	[tilespmem:$0x10200] =	vst v63  }
0x15: {  	s12 =	simm.s32 $0x4200  }
0x16: {  	[tilespmem:s12], [sflag:$0x2] =	stream.indirect.gather [hbm4b:s0+s9], $0x80, s9, s9, $0xb8;
	[tilespmem:$0x10200] =	vst v63  }
0x17: {  	s13 =	simm.s32 $0x180;
	s14 =	simm.s32 $0xC200;
	s15 =	simm.s32 $0x1  }
0x18: {  	[tilespmem:s14], [sflag:$0x4] =	stream.indirect.gather [hbm4b:s2+s9], $0x80, s13, s9, $0xb8;
	[tilespmem:$0x10200] =	vst v63  }
0x19: {  	_ =	swait.ge [sflag:s15], $0x4000  }
0x1a: {  	s23 =	sshll.u32 s16, $0x4;
	[sflag:s15] =	ssyncset.done $0x0  }
0x1b: {  	s16 =	sadd.s32 s20, s23;
	[sflag:s15] =	ssyncadd.s32 $0xFFFFC000  }
0x1c: {  	[hbm4b:s16+s4] =	stream.linear.scatter [tilespmem:s10], [sflag:$0x5], $0x4000, $0x38;
	[tilespmem:$0x10200] =	vst v63  }
0x1d: {  	_ =	swait.ge [sflag:s5], $0x4000  }
0x1e: {  	[sflag:s5] =	ssyncset.done $0x0  }
0x1f: {  	s17 =	simm.s32 $0x3;
	[sflag:s5] =	ssyncadd.s32 $0xFFFFC000  }
0x20: {  	_ =	swait.ge [sflag:s17], $0x4000  }
0x21: {  	[sflag:s17] =	ssyncset.done $0x0  }
0x22: {  	s18 =	sadd.s32 s22, s23;
	[sflag:s17] =	ssyncadd.s32 $0xFFFFC000  }
0x23: {  	[hbm4b:s18+s4] =	stream.linear.scatter [tilespmem:s11], [sflag:$0x5], $0x4000, $0x38;
	[tilespmem:$0x10200] =	vst v63  }
0x24: {  	_ =	swait.ge [sflag:s5], $0x4000  }
0x25: {  	[sflag:s5] =	ssyncset.done $0x0  }
0x26: {  	s19 =	simm.s32 $0x2;
	[sflag:s5] =	ssyncadd.s32 $0xFFFFC000  }
0x27: {  	_ =	swait.ge [sflag:s19], $0x4000  }
0x28: {  	s23 =	sor.u32 $0x800, s23;
	[sflag:s19] =	ssyncset.done $0x0  }
0x29: {  	s24 =	ssub.s32 $0x2, s21;
	s20 =	sadd.s32 s20, s23;
	[sflag:s19] =	ssyncadd.s32 $0xFFFFC000  }
0x2a: {  	[hbm4b:s20+s4] =	stream.linear.scatter [tilespmem:s12], [sflag:$0x5], $0x4000, $0x38;
	[tilespmem:$0x10200] =	vst v63  }
0x2b: {  	s25 =	sshrl.u32 s24, $0x1;
	_ =	swait.ge [sflag:s5], $0x4000  }
0x2c: {  	s24 =	ssub.s32 s24, s25;
	[sflag:s5] =	ssyncset.done $0x0  }
0x2d: {  	s21 =	simm.s32 $0x4;
	s31 =	smax.u32 s24, $0x1;
	[sflag:s5] =	ssyncadd.s32 $0xFFFFC000  }
0x2e: {  	p0 =	sne.s32 s31, $0x1;
	_ =	swait.ge [sflag:s21], $0x4000  }
.Ltmp0:
0x2f: {  	[sflag:s21] =	ssyncset.done $0x0;
	(pc) =	sbr.rel @!p0 .LBB2_2-.Ltmp0, $4  }
0x30: {  	s22 =	sadd.s32 s22, s23;
	[sflag:s21] =	ssyncadd.s32 $0xFFFFC000  }
0x31: {  	[hbm4b:s22+s4] =	stream.linear.scatter [tilespmem:s14], [sflag:$0x5], $0x4000, $0x38;
	[tilespmem:$0x10200] =	vst v63  }
0x32: {  	_ =	swait.ge [sflag:s5], $0x4000  }
0x33: {  	s23 =	sadd.s32 $0xFFFFFFFF, s31;
	[sflag:s5] =	ssyncset.done $0x0  }
.LBB2_1:
0x34: {  	p0 =	sne.s32 s23, $0x1;
	s23 =	sadd.s32 $0xFFFFFFFF, s23;
	[sflag:s5] =	ssyncadd.s32 $0xFFFFC000  }
0x35: {  	[tilespmem:s4], [sflag:$0x5] =	stream.linear.gather [hbm4b:s6+s4], $0x100, $0x38;
	[tilespmem:$0x10200] =	vst v63  }
0x36: {  	_ =	swait.ge [sflag:s5], $0x100  }
0x37: {  	[sflag:s5] =	ssyncset.done $0x0  }
0x38: {  	[sflag:s5] =	ssyncadd.s32 $0xFFFFFF00  }
0x39: {  	[tilespmem:s8], [sflag:$0x5] =	stream.linear.gather [hbm4b:s7+s4], $0x100, $0x38;
	[tilespmem:$0x10200] =	vst v63  }
0x3a: {  	_ =	swait.ge [sflag:s5], $0x100  }
0x3b: {  	[sflag:s5] =	ssyncset.done $0x0  }
0x3c: {  	[sflag:s5] =	ssyncadd.s32 $0xFFFFFF00  }
0x3d: {  	[tilespmem:s10], [sflag:$0x1] =	stream.indirect.gather [hbm4b:s0+s9], $0x80, s4, s9, $0xb8;
	[tilespmem:$0x10200] =	vst v63  }
0x3e: {  	_ = 	snop  }
0x3f: {  	[tilespmem:s11], [sflag:$0x3] =	stream.indirect.gather [hbm4b:s2+s9], $0x80, s8, s9, $0xb8;
	[tilespmem:$0x10200] =	vst v63  }
0x40: {  	_ = 	snop  }
0x41: {  	[tilespmem:s12], [sflag:$0x2] =	stream.indirect.gather [hbm4b:s0+s9], $0x80, s9, s9, $0xb8;
	[tilespmem:$0x10200] =	vst v63  }
0x42: {  	_ = 	snop  }
0x43: {  	[tilespmem:s14], [sflag:$0x4] =	stream.indirect.gather [hbm4b:s2+s9], $0x80, s13, s9, $0xb8;
	[tilespmem:$0x10200] =	vst v63  }
0x44: {  	_ =	swait.ge [sflag:s15], $0x4000  }
0x45: {  	[sflag:s15] =	ssyncset.done $0x0  }
0x46: {  	[sflag:s15] =	ssyncadd.s32 $0xFFFFC000  }
0x47: {  	[hbm4b:s16+s4] =	stream.linear.scatter [tilespmem:s10], [sflag:$0x5], $0x4000, $0x38;
	[tilespmem:$0x10200] =	vst v63  }
0x48: {  	_ =	swait.ge [sflag:s5], $0x4000  }
0x49: {  	[sflag:s5] =	ssyncset.done $0x0  }
0x4a: {  	[sflag:s5] =	ssyncadd.s32 $0xFFFFC000  }
0x4b: {  	_ =	swait.ge [sflag:s17], $0x4000  }
0x4c: {  	[sflag:s17] =	ssyncset.done $0x0  }
0x4d: {  	[sflag:s17] =	ssyncadd.s32 $0xFFFFC000  }
0x4e: {  	[hbm4b:s18+s4] =	stream.linear.scatter [tilespmem:s11], [sflag:$0x5], $0x4000, $0x38;
	[tilespmem:$0x10200] =	vst v63  }
0x4f: {  	_ =	swait.ge [sflag:s5], $0x4000  }
0x50: {  	[sflag:s5] =	ssyncset.done $0x0  }
0x51: {  	[sflag:s5] =	ssyncadd.s32 $0xFFFFC000  }
0x52: {  	_ =	swait.ge [sflag:s19], $0x4000  }
0x53: {  	[sflag:s19] =	ssyncset.done $0x0  }
0x54: {  	[sflag:s19] =	ssyncadd.s32 $0xFFFFC000  }
0x55: {  	[hbm4b:s20+s4] =	stream.linear.scatter [tilespmem:s12], [sflag:$0x5], $0x4000, $0x38;
	[tilespmem:$0x10200] =	vst v63  }
0x56: {  	_ =	swait.ge [sflag:s5], $0x4000  }
0x57: {  	[sflag:s5] =	ssyncset.done $0x0  }
0x58: {  	[sflag:s5] =	ssyncadd.s32 $0xFFFFC000  }
0x59: {  	_ =	swait.ge [sflag:s21], $0x4000  }
.Ltmp1:
0x5a: {  	[sflag:s21] =	ssyncset.done $0x0;
	(pc) =	sbr.rel @p0 .LBB2_1-.Ltmp1, $4  }
0x5b: {  	[sflag:s21] =	ssyncadd.s32 $0xFFFFC000  }
0x5c: {  	[hbm4b:s22+s4] =	stream.linear.scatter [tilespmem:s14], [sflag:$0x5], $0x4000, $0x38;
	[tilespmem:$0x10200] =	vst v63  }
0x5d: {  	_ =	swait.ge [sflag:s5], $0x4000  }
0x5e: {  	[sflag:s5] =	ssyncset.done $0x0  }
.LBB2_2:
0x5f: {  	[sflag:s5] =	ssyncadd.s32 $0xFFFFC000  }
0x60: {  	_ =	sfence.sel $0x180000  }
0x61: {  	[bflag:$0x0] =	sbarrier.arrive $0xFFFF  }
0x62: {  	p0 =	sne.s32 s1, $0x0;
	_ =	strace $0x90000047  }
0x63: {  	s0 =	sadd.s32 @!p0 $0x100000, s3;
	[bflag:$0x2] =	sbarrier.arrive $0xFFFF  }
0x64: {  	[sflag:s0] =	ssyncadd.tile.s32 @!p0 $0x1;
	_ =	shalt  }
.Lfunc_end2:
_tile_overlayer_lowered:
.L_overlay_start_2:
0x65: {  	(tag) =	ssettag $0x2  }
0x66: {  	s0 =	rddreg [dreg:$0x0];
	s2 =	stileid.u32  }
0x67: {  	s1 =	rddreg [dreg:$0x1];
	p0 =	sne.s32 s2, $0x0  }
0x68: {  	s3 =	rddreg [dreg:$0x2];
	[bflag:$0x3] =	sbarrier.arrive $0xFFFF;
	s2 =	simm.s32 @!p0 $0x1C05  }
0x69: {  	[timem:s3], [sflag:s2] =	dma.local @!p0 [hbm:s0], s1  }
0x6a: {  	s0 =	simm.s32 @!p0 $0x5  }
0x6b: {  	_ =	swait.ge @!p0 [sflag:s0], s1  }
0x6c: {  	s1 =	ssub.s32 @!p0 $0x0, s1;
	[sflag:s0] =	ssyncset.done @!p0 $0x0  }
0x6d: {  	[sflag:s0] =	ssyncadd.s32 @!p0 s1  }
0x6e: {  	[bflag:$0x3] =	sbarrier.arrive $0xFFFF  }
0x6f: {  	_ =	shalt  }

</sc_bundles>
